<compile_context>
chip_gen: v7x
topology: tpu7x:2x2x1
jax: 0.10.2.dev20260603
libtpu: 0.0.44.dev20260713+nightly
codegen_flags: <defaults>
</compile_context>

<pallas_src>
import functools

import jax
import jax.numpy as jnp
from jax import lax
from jax.experimental import pallas as pl
from jax.experimental.pallas import tpu as pltpu
from jax.experimental.pallas import tpu_sc as plsc

IN_F = 4096
OUT_F = 4096
REDN = 4
WSIZE = OUT_F * (IN_F // REDN)
FLAT = OUT_F * IN_F

NC = 2
NS = 16
NW = NC * NS

CHUNK = 16384
PER_W = FLAT // NW
NCHUNK = PER_W // CHUNK
MUL_UNROLL = 8
MUL_ITERS = CHUNK // (16 * MUL_UNROLL)


def _sslt_kernel(
    w_hbm, idx_hbm, g_hbm, out_hbm,
    idx0, idx1, g0, g1, w0, w1,
    si0, si1, sg0, sg1, sw0, sw1, so0, so1,
):
    wid = lax.axis_index("s") * NC + lax.axis_index("c")
    base0 = wid * PER_W

    idx_b = (idx0, idx1)
    g_b = (g0, g1)
    w_b = (w0, w1)
    si = (si0, si1)
    sg = (sg0, sg1)
    sw = (sw0, sw1)
    so = (so0, so1)

    def stage(c, p):
        base = base0 + c * CHUNK
        pltpu.make_async_copy(idx_hbm.at[pl.ds(base, CHUNK)], idx_b[p], si[p]).start()
        pltpu.make_async_copy(g_hbm.at[pl.ds(base, CHUNK)], g_b[p], sg[p]).start()

    def wait_idx(c, p):
        base = base0 + c * CHUNK
        pltpu.make_async_copy(idx_hbm.at[pl.ds(base, CHUNK)], idx_b[p], si[p]).wait()

    def wait_g(c, p):
        base = base0 + c * CHUNK
        pltpu.make_async_copy(g_hbm.at[pl.ds(base, CHUNK)], g_b[p], sg[p]).wait()

    def fire(p):
        pltpu.make_async_copy(w_hbm.at[idx_b[p]], w_b[p], sw[p]).start()

    def drain(p):
        pltpu.make_async_copy(w_hbm.at[idx_b[p]], w_b[p], sw[p]).wait()

    def start_store(c, p):
        base = base0 + c * CHUNK
        pltpu.make_async_copy(w_b[p], out_hbm.at[pl.ds(base, CHUNK)], so[p]).start()

    def wait_store(c, p):
        base = base0 + c * CHUNK
        pltpu.make_async_copy(w_b[p], out_hbm.at[pl.ds(base, CHUNK)], so[p]).wait()

    def multiply(p):
        wv, gv = w_b[p], g_b[p]

        def mul(i, carry):
            for u in range(MUL_UNROLL):
                off = (i * MUL_UNROLL + u) * 16
                wv[pl.ds(off, 16)] = wv[pl.ds(off, 16)] * gv[pl.ds(off, 16)]
            return carry

        lax.fori_loop(0, MUL_ITERS, mul, 0)

    def half(c, p):
        q = 1 - p

        @pl.when(c + 1 < NCHUNK)
        def _():
            wait_idx(c + 1, q)
            @pl.when(c >= 1)
            def _():
                wait_store(c - 1, q)
            fire(q)

        drain(p)
        wait_g(c, p)
        multiply(p)
        start_store(c, p)

        @pl.when(c + 2 < NCHUNK)
        def _():
            stage(c + 2, p)

    stage(0, 0)
    stage(1, 1)
    wait_idx(0, 0)
    fire(0)

    def body(t, carry):
        half(2 * t, 0)
        half(2 * t + 1, 1)
        return carry

    lax.fori_loop(0, NCHUNK // 2, body, 0)

    wait_store(NCHUNK - 1, 1)


@jax.jit
def _sslt(weight, idx_flat, g_flat):
    run = functools.partial(
        pl.kernel,
        mesh=plsc.VectorSubcoreMesh(core_axis_name="c", subcore_axis_name="s"),
        out_type=jax.ShapeDtypeStruct((FLAT,), jnp.float32),
        scratch_types=[
            pltpu.VMEM((CHUNK,), jnp.int32),
            pltpu.VMEM((CHUNK,), jnp.int32),
            pltpu.VMEM((CHUNK,), jnp.float32),
            pltpu.VMEM((CHUNK,), jnp.float32),
            pltpu.VMEM((CHUNK,), jnp.float32),
            pltpu.VMEM((CHUNK,), jnp.float32),
        ] + [pltpu.SemaphoreType.DMA] * 8,
    )(_sslt_kernel)
    return run(weight, idx_flat, g_flat)


def kernel(weight, IDX, G):
    idx_flat = IDX.reshape(FLAT)
    g_flat = G.reshape(FLAT)
    out = _sslt(weight, idx_flat, g_flat)
    return out.reshape(OUT_F, IN_F)

# --- scband reference (transcript-rebuilt; emitter-appended) ---
"""Pipeline reference for scband-sketch-structured-linear-tranform-2173253452512 (READ-ONLY COPY).

The authoritative reference and input builder live on the scoring server;
editing this copy changes nothing except your own understanding.
"""

import jax, jax.numpy as jnp
import numpy as np

IN_F = 4096
OUT_F = 4096
REDN = 4
WSIZE = OUT_F * (IN_F // REDN)


def setup_inputs(seed: int = 0) -> dict:
    key = jax.random.key(seed)
    k1, k2, k3 = jax.random.split(key, 3)
    init_scale = 1.0 / np.sqrt(IN_F)
    weight = jax.random.uniform(k1, (WSIZE,), minval=-init_scale, maxval=init_scale, dtype=jnp.float32)
    IDX = jax.random.randint(k2, (OUT_F, IN_F), 0, WSIZE, dtype=jnp.int32)
    G = jax.random.randint(k3, (OUT_F, IN_F), 0, 2).astype(jnp.float32) * 2.0 - 1.0
    return {"weight": weight, "IDX": IDX, "G": G}


def reference(weight, IDX, G):
    # W = weight[IDX] * G  (sketched / weight-shared linear transform materialization)
    W = jnp.take(weight, IDX, axis=0) * G
    return W

if __name__ == "__main__":
    import jax
    _d = setup_inputs()
    print(jax.jit(kernel)(*tuple(_d.values())))

</pallas_src>

<mosaic_0001>
#map = affine_map<(d0, d1) -> (0)>
module attributes {stable_mosaic.version = 14 : i64} {
  func.func @_sslt_kernel(%arg0: i32, %arg1: i32, %arg2: memref<4194304xf32, #tpu.memory_space<hbm>>, %arg3: memref<16777216xi32, #tpu.memory_space<hbm>>, %arg4: memref<16777216xf32, #tpu.memory_space<hbm>>, %arg5: memref<16777216xf32, #tpu.memory_space<hbm>>, %arg6: memref<16384xi32, #tpu.memory_space<vmem>>, %arg7: memref<16384xi32, #tpu.memory_space<vmem>>, %arg8: memref<16384xf32, #tpu.memory_space<vmem>>, %arg9: memref<16384xf32, #tpu.memory_space<vmem>>, %arg10: memref<16384xf32, #tpu.memory_space<vmem>>, %arg11: memref<16384xf32, #tpu.memory_space<vmem>>, %arg12: memref<!tpu.dma_semaphore, #tpu.memory_space<semaphore_mem>>, %arg13: memref<!tpu.dma_semaphore, #tpu.memory_space<semaphore_mem>>, %arg14: memref<!tpu.dma_semaphore, #tpu.memory_space<semaphore_mem>>, %arg15: memref<!tpu.dma_semaphore, #tpu.memory_space<semaphore_mem>>, %arg16: memref<!tpu.dma_semaphore, #tpu.memory_space<semaphore_mem>>, %arg17: memref<!tpu.dma_semaphore, #tpu.memory_space<semaphore_mem>>, %arg18: memref<!tpu.dma_semaphore, #tpu.memory_space<semaphore_mem>>, %arg19: memref<!tpu.dma_semaphore, #tpu.memory_space<semaphore_mem>>) attributes {dimension_semantics = [#tpu.dimension_semantics<core_parallel>, #tpu.dimension_semantics<subcore_parallel>], iteration_bounds = array<i64: 2, 16>, scalar_prefetch = 0 : i64, scratch_operands = 14 : i64, tpu.core_type = #tpu.core_type<sc_vector_subcore>, window_params = [{transform_indices = #map}, {transform_indices = #map}, {transform_indices = #map}, {transform_indices = #map}]} {
    %mul3A = arith.constant 2 : i32
    %mul3A_0 = arith.muli %arg1, %mul3A : i32
    %add3A = arith.addi %mul3A_0, %arg0 : i32
    %mul3A_1 = arith.constant 524288 : i32
    %mul3A_2 = arith.muli %add3A, %mul3A_1 : i32
    %add3A_3 = arith.constant 0 : i32
    %add3A_4 = arith.addi %mul3A_2, %add3A_3 : i32
    %dma_start3A = tpu.memref_slice %arg3[%add3A_4] : memref<16777216xi32, #tpu.memory_space<hbm>> -> memref<16384xi32, #tpu.memory_space<hbm>>
    %dma_start3A_5 = tpu.memref_slice %arg3[%add3A_4] : memref<16777216xi32, #tpu.memory_space<hbm>> -> memref<16384xi32, #tpu.memory_space<hbm>>
    tpu.enqueue_dma source(%dma_start3A_5 : memref<16384xi32, #tpu.memory_space<hbm>>) target(%arg6 : memref<16384xi32, #tpu.memory_space<vmem>>) target_semaphore(%arg12 : memref<!tpu.dma_semaphore, #tpu.memory_space<semaphore_mem>>)
    %dma_start3A_6 = tpu.memref_slice %arg4[%add3A_4] : memref<16777216xf32, #tpu.memory_space<hbm>> -> memref<16384xf32, #tpu.memory_space<hbm>>
    %dma_start3A_7 = tpu.memref_slice %arg4[%add3A_4] : memref<16777216xf32, #tpu.memory_space<hbm>> -> memref<16384xf32, #tpu.memory_space<hbm>>
    tpu.enqueue_dma source(%dma_start3A_7 : memref<16384xf32, #tpu.memory_space<hbm>>) target(%arg8 : memref<16384xf32, #tpu.memory_space<vmem>>) target_semaphore(%arg14 : memref<!tpu.dma_semaphore, #tpu.memory_space<semaphore_mem>>)
    %add3A_8 = arith.constant 16384 : i32
    %add3A_9 = arith.addi %mul3A_2, %add3A_8 : i32
    %dma_start3A_10 = tpu.memref_slice %arg3[%add3A_9] : memref<16777216xi32, #tpu.memory_space<hbm>> -> memref<16384xi32, #tpu.memory_space<hbm>>
    %dma_start3A_11 = tpu.memref_slice %arg3[%add3A_9] : memref<16777216xi32, #tpu.memory_space<hbm>> -> memref<16384xi32, #tpu.memory_space<hbm>>
    tpu.enqueue_dma source(%dma_start3A_11 : memref<16384xi32, #tpu.memory_space<hbm>>) target(%arg7 : memref<16384xi32, #tpu.memory_space<vmem>>) target_semaphore(%arg13 : memref<!tpu.dma_semaphore, #tpu.memory_space<semaphore_mem>>)
    %dma_start3A_12 = tpu.memref_slice %arg4[%add3A_9] : memref<16777216xf32, #tpu.memory_space<hbm>> -> memref<16384xf32, #tpu.memory_space<hbm>>
    %dma_start3A_13 = tpu.memref_slice %arg4[%add3A_9] : memref<16777216xf32, #tpu.memory_space<hbm>> -> memref<16384xf32, #tpu.memory_space<hbm>>
    tpu.enqueue_dma source(%dma_start3A_13 : memref<16384xf32, #tpu.memory_space<hbm>>) target(%arg9 : memref<16384xf32, #tpu.memory_space<vmem>>) target_semaphore(%arg15 : memref<!tpu.dma_semaphore, #tpu.memory_space<semaphore_mem>>)
    %add3A_14 = arith.constant 0 : i32
    %add3A_15 = arith.addi %mul3A_2, %add3A_14 : i32
    %dma_wait3A = tpu.memref_slice %arg3[%add3A_15] : memref<16777216xi32, #tpu.memory_space<hbm>> -> memref<16384xi32, #tpu.memory_space<hbm>>
    %dma_wait3A_16 = tpu.memref_slice %arg3[%add3A_15] : memref<16777216xi32, #tpu.memory_space<hbm>> -> memref<16384xi32, #tpu.memory_space<hbm>>
    tpu.wait_dma2 semaphore(%arg12 : memref<!tpu.dma_semaphore, #tpu.memory_space<semaphore_mem>>) src(%dma_wait3A_16 : memref<16384xi32, #tpu.memory_space<hbm>>) dst(%arg6 : memref<16384xi32, #tpu.memory_space<vmem>>)
    %dma_start3A_17 = arith.constant 0 : i32
    %dma_start3A_18 = tpu.memref_slice %arg2[%dma_start3A_17] : memref<4194304xf32, #tpu.memory_space<hbm>> -> memref<4194304xf32, #tpu.memory_space<hbm>>
    tpu.enqueue_indirect_dma source(%dma_start3A_18 : memref<4194304xf32, #tpu.memory_space<hbm>>) target(%arg10 : memref<16384xf32, #tpu.memory_space<vmem>>) offsets(%arg6 : memref<16384xi32, #tpu.memory_space<vmem>>) semaphore(%arg16 : memref<!tpu.dma_semaphore, #tpu.memory_space<semaphore_mem>>)
    %scan3A = arith.constant 0 : i32
    %scan3A_19 = arith.constant 0 : i32
    %scan3A_20 = arith.constant 16 : i32
    %scan3A_21 = arith.addi %scan3A_19, %scan3A_20 : i32
    %scan3A_22 = arith.constant 1 : i32
    scf.for %scan3A_28 = %scan3A_19 to %scan3A_21 step %scan3A_22  : i32 {
      %mul3A_29 = arith.constant 2 : i32
      %mul3A_30 = arith.muli %mul3A_29, %scan3A_28 : i32
      %add3A_31 = arith.constant 1 : i32
      %add3A_32 = arith.addi %mul3A_30, %add3A_31 : i32
      %lt3A = arith.constant 32 : i32
      %lt3A_33 = arith.cmpi slt, %add3A_32, %lt3A : i32
      %convert_element_type3A = arith.extui %lt3A_33 : i1 to i32
      %cond3A = arith.constant 0 : i32
      %cond3A_34 = arith.cmpi ne, %convert_element_type3A, %cond3A : i32
      scf.if %cond3A_34 {
        %add3A_96 = arith.constant 1 : i32
        %add3A_97 = arith.addi %mul3A_30, %add3A_96 : i32
        %mul3A_98 = arith.constant 16384 : i32
        %mul3A_99 = arith.muli %add3A_97, %mul3A_98 : i32
        %add3A_100 = arith.addi %mul3A_2, %mul3A_99 : i32
        %dma_wait3A_101 = tpu.memref_slice %arg3[%add3A_100] : memref<16777216xi32, #tpu.memory_space<hbm>> -> memref<16384xi32, #tpu.memory_space<hbm>>
        %dma_wait3A_102 = tpu.memref_slice %arg3[%add3A_100] : memref<16777216xi32, #tpu.memory_space<hbm>> -> memref<16384xi32, #tpu.memory_space<hbm>>
        tpu.wait_dma2 semaphore(%arg13 : memref<!tpu.dma_semaphore, #tpu.memory_space<semaphore_mem>>) src(%dma_wait3A_102 : memref<16384xi32, #tpu.memory_space<hbm>>) dst(%arg7 : memref<16384xi32, #tpu.memory_space<vmem>>)
        %ge3A = arith.constant 1 : i32
        %ge3A_103 = arith.cmpi sge, %mul3A_30, %ge3A : i32
        %convert_element_type3A_104 = arith.extui %ge3A_103 : i1 to i32
        %cond3A_105 = arith.constant 0 : i32
        %cond3A_106 = arith.cmpi ne, %convert_element_type3A_104, %cond3A_105 : i32
        scf.if %cond3A_106 {
          %sub3A = arith.constant 1 : i32
          %sub3A_109 = arith.subi %mul3A_30, %sub3A : i32
          %mul3A_110 = arith.constant 16384 : i32
          %mul3A_111 = arith.muli %sub3A_109, %mul3A_110 : i32
          %add3A_112 = arith.addi %mul3A_2, %mul3A_111 : i32
          %dma_wait3A_113 = tpu.memref_slice %arg5[%add3A_112] : memref<16777216xf32, #tpu.memory_space<hbm>> -> memref<16384xf32, #tpu.memory_space<hbm>>
          %dma_wait3A_114 = tpu.memref_slice %arg5[%add3A_112] : memref<16777216xf32, #tpu.memory_space<hbm>> -> memref<16384xf32, #tpu.memory_space<hbm>>
          tpu.wait_dma2 semaphore(%arg19 : memref<!tpu.dma_semaphore, #tpu.memory_space<semaphore_mem>>) src(%arg11 : memref<16384xf32, #tpu.memory_space<vmem>>) dst(%dma_wait3A_114 : memref<16384xf32, #tpu.memory_space<hbm>>)
        } else {
        }
        %dma_start3A_107 = arith.constant 0 : i32
        %dma_start3A_108 = tpu.memref_slice %arg2[%dma_start3A_107] : memref<4194304xf32, #tpu.memory_space<hbm>> -> memref<4194304xf32, #tpu.memory_space<hbm>>
        tpu.enqueue_indirect_dma source(%dma_start3A_108 : memref<4194304xf32, #tpu.memory_space<hbm>>) target(%arg11 : memref<16384xf32, #tpu.memory_space<vmem>>) offsets(%arg7 : memref<16384xi32, #tpu.memory_space<vmem>>) semaphore(%arg17 : memref<!tpu.dma_semaphore, #tpu.memory_space<semaphore_mem>>)
      } else {
      }
      %dma_wait3A_35 = arith.constant 0 : i32
      %dma_wait3A_36 = tpu.memref_slice %arg2[%dma_wait3A_35] : memref<4194304xf32, #tpu.memory_space<hbm>> -> memref<4194304xf32, #tpu.memory_space<hbm>>
      tpu.wait_indirect_dma semaphore(%arg16 : memref<!tpu.dma_semaphore, #tpu.memory_space<semaphore_mem>>) src(%dma_wait3A_36 : memref<4194304xf32, #tpu.memory_space<hbm>>) dst(%arg10 : memref<16384xf32, #tpu.memory_space<vmem>>)
      %mul3A_37 = arith.constant 16384 : i32
      %mul3A_38 = arith.muli %mul3A_30, %mul3A_37 : i32
      %add3A_39 = arith.addi %mul3A_2, %mul3A_38 : i32
      %dma_wait3A_40 = tpu.memref_slice %arg4[%add3A_39] : memref<16777216xf32, #tpu.memory_space<hbm>> -> memref<16384xf32, #tpu.memory_space<hbm>>
      %dma_wait3A_41 = tpu.memref_slice %arg4[%add3A_39] : memref<16777216xf32, #tpu.memory_space<hbm>> -> memref<16384xf32, #tpu.memory_space<hbm>>
      tpu.wait_dma2 semaphore(%arg14 : memref<!tpu.dma_semaphore, #tpu.memory_space<semaphore_mem>>) src(%dma_wait3A_41 : memref<16384xf32, #tpu.memory_space<hbm>>) dst(%arg8 : memref<16384xf32, #tpu.memory_space<vmem>>)
      %scan3A_42 = arith.constant 0 : i32
      %scan3A_43 = arith.constant 0 : i32
      %scan3A_44 = arith.constant 128 : i32
      %scan3A_45 = arith.addi %scan3A_43, %scan3A_44 : i32
      %scan3A_46 = arith.constant 1 : i32
      scf.for %scan3A_96 = %scan3A_43 to %scan3A_45 step %scan3A_46  : i32 {
        %mul3A_97 = arith.constant 8 : i32
        %mul3A_98 = arith.muli %scan3A_96, %mul3A_97 : i32
        %add3A_99 = arith.constant 0 : i32
        %add3A_100 = arith.addi %mul3A_98, %add3A_99 : i32
        %mul3A_101 = arith.constant 16 : i32
        %mul3A_102 = arith.muli %add3A_100, %mul3A_101 : i32
        %get3A = arith.index_cast %mul3A_102 : i32 to index
        %get3A_103 = tpu.vector_load %arg10[%get3A] {strides = array<i32>} : memref<16384xf32, #tpu.memory_space<vmem>>, vector<16xf32>,
        %get3A_104 = vector.shape_cast %get3A_103 : vector<16xf32> to vector<16xf32>
        %get3A_105 = arith.index_cast %mul3A_102 : i32 to index
        %get3A_106 = tpu.vector_load %arg8[%get3A_105] {strides = array<i32>} : memref<16384xf32, #tpu.memory_space<vmem>>, vector<16xf32>,
        %get3A_107 = vector.shape_cast %get3A_106 : vector<16xf32> to vector<16xf32>
        %mul3A_108 = arith.mulf %get3A_104, %get3A_107 : vector<16xf32>
        %swap3A = arith.index_cast %mul3A_102 : i32 to index
        %swap3A_109 = tpu.vector_load %arg10[%swap3A] {strides = array<i32>} : memref<16384xf32, #tpu.memory_space<vmem>>, vector<16xf32>,
        %swap3A_110 = vector.shape_cast %swap3A_109 : vector<16xf32> to vector<16xf32>
        %swap3A_111 = vector.shape_cast %mul3A_108 : vector<16xf32> to vector<16xf32>
        tpu.vector_store %arg10[%swap3A], %swap3A_111 {strides = array<i32>} : memref<16384xf32, #tpu.memory_space<vmem>>, vector<16xf32>,
        %mul3A_112 = arith.constant 8 : i32
        %mul3A_113 = arith.muli %scan3A_96, %mul3A_112 : i32
        %add3A_114 = arith.constant 1 : i32
        %add3A_115 = arith.addi %mul3A_113, %add3A_114 : i32
        %mul3A_116 = arith.constant 16 : i32
        %mul3A_117 = arith.muli %add3A_115, %mul3A_116 : i32
        %get3A_118 = arith.index_cast %mul3A_117 : i32 to index
        %get3A_119 = tpu.vector_load %arg10[%get3A_118] {strides = array<i32>} : memref<16384xf32, #tpu.memory_space<vmem>>, vector<16xf32>,
        %get3A_120 = vector.shape_cast %get3A_119 : vector<16xf32> to vector<16xf32>
        %get3A_121 = arith.index_cast %mul3A_117 : i32 to index
        %get3A_122 = tpu.vector_load %arg8[%get3A_121] {strides = array<i32>} : memref<16384xf32, #tpu.memory_space<vmem>>, vector<16xf32>,
        %get3A_123 = vector.shape_cast %get3A_122 : vector<16xf32> to vector<16xf32>
        %mul3A_124 = arith.mulf %get3A_120, %get3A_123 : vector<16xf32>
        %swap3A_125 = arith.index_cast %mul3A_117 : i32 to index
        %swap3A_126 = tpu.vector_load %arg10[%swap3A_125] {strides = array<i32>} : memref<16384xf32, #tpu.memory_space<vmem>>, vector<16xf32>,
        %swap3A_127 = vector.shape_cast %swap3A_126 : vector<16xf32> to vector<16xf32>
        %swap3A_128 = vector.shape_cast %mul3A_124 : vector<16xf32> to vector<16xf32>
        tpu.vector_store %arg10[%swap3A_125], %swap3A_128 {strides = array<i32>} : memref<16384xf32, #tpu.memory_space<vmem>>, vector<16xf32>,
        %mul3A_129 = arith.constant 8 : i32
        %mul3A_130 = arith.muli %scan3A_96, %mul3A_129 : i32
        %add3A_131 = arith.constant 2 : i32
        %add3A_132 = arith.addi %mul3A_130, %add3A_131 : i32
        %mul3A_133 = arith.constant 16 : i32
        %mul3A_134 = arith.muli %add3A_132, %mul3A_133 : i32
        %get3A_135 = arith.index_cast %mul3A_134 : i32 to index
        %get3A_136 = tpu.vector_load %arg10[%get3A_135] {strides = array<i32>} : memref<16384xf32, #tpu.memory_space<vmem>>, vector<16xf32>,
        %get3A_137 = vector.shape_cast %get3A_136 : vector<16xf32> to vector<16xf32>
        %get3A_138 = arith.index_cast %mul3A_134 : i32 to index
        %get3A_139 = tpu.vector_load %arg8[%get3A_138] {strides = array<i32>} : memref<16384xf32, #tpu.memory_space<vmem>>, vector<16xf32>,
        %get3A_140 = vector.shape_cast %get3A_139 : vector<16xf32> to vector<16xf32>
        %mul3A_141 = arith.mulf %get3A_137, %get3A_140 : vector<16xf32>
        %swap3A_142 = arith.index_cast %mul3A_134 : i32 to index
        %swap3A_143 = tpu.vector_load %arg10[%swap3A_142] {strides = array<i32>} : memref<16384xf32, #tpu.memory_space<vmem>>, vector<16xf32>,
        %swap3A_144 = vector.shape_cast %swap3A_143 : vector<16xf32> to vector<16xf32>
        %swap3A_145 = vector.shape_cast %mul3A_141 : vector<16xf32> to vector<16xf32>
        tpu.vector_store %arg10[%swap3A_142], %swap3A_145 {strides = array<i32>} : memref<16384xf32, #tpu.memory_space<vmem>>, vector<16xf32>,
        %mul3A_146 = arith.constant 8 : i32
        %mul3A_147 = arith.muli %scan3A_96, %mul3A_146 : i32
        %add3A_148 = arith.constant 3 : i32
        %add3A_149 = arith.addi %mul3A_147, %add3A_148 : i32
        %mul3A_150 = arith.constant 16 : i32
        %mul3A_151 = arith.muli %add3A_149, %mul3A_150 : i32
        %get3A_152 = arith.index_cast %mul3A_151 : i32 to index
        %get3A_153 = tpu.vector_load %arg10[%get3A_152] {strides = array<i32>} : memref<16384xf32, #tpu.memory_space<vmem>>, vector<16xf32>,
        %get3A_154 = vector.shape_cast %get3A_153 : vector<16xf32> to vector<16xf32>
        %get3A_155 = arith.index_cast %mul3A_151 : i32 to index
        %get3A_156 = tpu.vector_load %arg8[%get3A_155] {strides = array<i32>} : memref<16384xf32, #tpu.memory_space<vmem>>, vector<16xf32>,
        %get3A_157 = vector.shape_cast %get3A_156 : vector<16xf32> to vector<16xf32>
        %mul3A_158 = arith.mulf %get3A_154, %get3A_157 : vector<16xf32>
        %swap3A_159 = arith.index_cast %mul3A_151 : i32 to index
        %swap3A_160 = tpu.vector_load %arg10[%swap3A_159] {strides = array<i32>} : memref<16384xf32, #tpu.memory_space<vmem>>, vector<16xf32>,
        %swap3A_161 = vector.shape_cast %swap3A_160 : vector<16xf32> to vector<16xf32>
        %swap3A_162 = vector.shape_cast %mul3A_158 : vector<16xf32> to vector<16xf32>
        tpu.vector_store %arg10[%swap3A_159], %swap3A_162 {strides = array<i32>} : memref<16384xf32, #tpu.memory_space<vmem>>, vector<16xf32>,
        %mul3A_163 = arith.constant 8 : i32
        %mul3A_164 = arith.muli %scan3A_96, %mul3A_163 : i32
        %add3A_165 = arith.constant 4 : i32
        %add3A_166 = arith.addi %mul3A_164, %add3A_165 : i32
        %mul3A_167 = arith.constant 16 : i32
        %mul3A_168 = arith.muli %add3A_166, %mul3A_167 : i32
        %get3A_169 = arith.index_cast %mul3A_168 : i32 to index
        %get3A_170 = tpu.vector_load %arg10[%get3A_169] {strides = array<i32>} : memref<16384xf32, #tpu.memory_space<vmem>>, vector<16xf32>,
        %get3A_171 = vector.shape_cast %get3A_170 : vector<16xf32> to vector<16xf32>
        %get3A_172 = arith.index_cast %mul3A_168 : i32 to index
        %get3A_173 = tpu.vector_load %arg8[%get3A_172] {strides = array<i32>} : memref<16384xf32, #tpu.memory_space<vmem>>, vector<16xf32>,
        %get3A_174 = vector.shape_cast %get3A_173 : vector<16xf32> to vector<16xf32>
        %mul3A_175 = arith.mulf %get3A_171, %get3A_174 : vector<16xf32>
        %swap3A_176 = arith.index_cast %mul3A_168 : i32 to index
        %swap3A_177 = tpu.vector_load %arg10[%swap3A_176] {strides = array<i32>} : memref<16384xf32, #tpu.memory_space<vmem>>, vector<16xf32>,
        %swap3A_178 = vector.shape_cast %swap3A_177 : vector<16xf32> to vector<16xf32>
        %swap3A_179 = vector.shape_cast %mul3A_175 : vector<16xf32> to vector<16xf32>
        tpu.vector_store %arg10[%swap3A_176], %swap3A_179 {strides = array<i32>} : memref<16384xf32, #tpu.memory_space<vmem>>, vector<16xf32>,
        %mul3A_180 = arith.constant 8 : i32
        %mul3A_181 = arith.muli %scan3A_96, %mul3A_180 : i32
        %add3A_182 = arith.constant 5 : i32
        %add3A_183 = arith.addi %mul3A_181, %add3A_182 : i32
        %mul3A_184 = arith.constant 16 : i32
        %mul3A_185 = arith.muli %add3A_183, %mul3A_184 : i32
        %get3A_186 = arith.index_cast %mul3A_185 : i32 to index
        %get3A_187 = tpu.vector_load %arg10[%get3A_186] {strides = array<i32>} : memref<16384xf32, #tpu.memory_space<vmem>>, vector<16xf32>,
        %get3A_188 = vector.shape_cast %get3A_187 : vector<16xf32> to vector<16xf32>
        %get3A_189 = arith.index_cast %mul3A_185 : i32 to index
        %get3A_190 = tpu.vector_load %arg8[%get3A_189] {strides = array<i32>} : memref<16384xf32, #tpu.memory_space<vmem>>, vector<16xf32>,
        %get3A_191 = vector.shape_cast %get3A_190 : vector<16xf32> to vector<16xf32>
        %mul3A_192 = arith.mulf %get3A_188, %get3A_191 : vector<16xf32>
        %swap3A_193 = arith.index_cast %mul3A_185 : i32 to index
        %swap3A_194 = tpu.vector_load %arg10[%swap3A_193] {strides = array<i32>} : memref<16384xf32, #tpu.memory_space<vmem>>, vector<16xf32>,
        %swap3A_195 = vector.shape_cast %swap3A_194 : vector<16xf32> to vector<16xf32>
        %swap3A_196 = vector.shape_cast %mul3A_192 : vector<16xf32> to vector<16xf32>
        tpu.vector_store %arg10[%swap3A_193], %swap3A_196 {strides = array<i32>} : memref<16384xf32, #tpu.memory_space<vmem>>, vector<16xf32>,
        %mul3A_197 = arith.constant 8 : i32
        %mul3A_198 = arith.muli %scan3A_96, %mul3A_197 : i32
        %add3A_199 = arith.constant 6 : i32
        %add3A_200 = arith.addi %mul3A_198, %add3A_199 : i32
        %mul3A_201 = arith.constant 16 : i32
        %mul3A_202 = arith.muli %add3A_200, %mul3A_201 : i32
        %get3A_203 = arith.index_cast %mul3A_202 : i32 to index
        %get3A_204 = tpu.vector_load %arg10[%get3A_203] {strides = array<i32>} : memref<16384xf32, #tpu.memory_space<vmem>>, vector<16xf32>,
        %get3A_205 = vector.shape_cast %get3A_204 : vector<16xf32> to vector<16xf32>
        %get3A_206 = arith.index_cast %mul3A_202 : i32 to index
        %get3A_207 = tpu.vector_load %arg8[%get3A_206] {strides = array<i32>} : memref<16384xf32, #tpu.memory_space<vmem>>, vector<16xf32>,
        %get3A_208 = vector.shape_cast %get3A_207 : vector<16xf32> to vector<16xf32>
        %mul3A_209 = arith.mulf %get3A_205, %get3A_208 : vector<16xf32>
        %swap3A_210 = arith.index_cast %mul3A_202 : i32 to index
        %swap3A_211 = tpu.vector_load %arg10[%swap3A_210] {strides = array<i32>} : memref<16384xf32, #tpu.memory_space<vmem>>, vector<16xf32>,
        %swap3A_212 = vector.shape_cast %swap3A_211 : vector<16xf32> to vector<16xf32>
        %swap3A_213 = vector.shape_cast %mul3A_209 : vector<16xf32> to vector<16xf32>
        tpu.vector_store %arg10[%swap3A_210], %swap3A_213 {strides = array<i32>} : memref<16384xf32, #tpu.memory_space<vmem>>, vector<16xf32>,
        %mul3A_214 = arith.constant 8 : i32
        %mul3A_215 = arith.muli %scan3A_96, %mul3A_214 : i32
        %add3A_216 = arith.constant 7 : i32
        %add3A_217 = arith.addi %mul3A_215, %add3A_216 : i32
        %mul3A_218 = arith.constant 16 : i32
        %mul3A_219 = arith.muli %add3A_217, %mul3A_218 : i32
        %get3A_220 = arith.index_cast %mul3A_219 : i32 to index
        %get3A_221 = tpu.vector_load %arg10[%get3A_220] {strides = array<i32>} : memref<16384xf32, #tpu.memory_space<vmem>>, vector<16xf32>,
        %get3A_222 = vector.shape_cast %get3A_221 : vector<16xf32> to vector<16xf32>
        %get3A_223 = arith.index_cast %mul3A_219 : i32 to index
        %get3A_224 = tpu.vector_load %arg8[%get3A_223] {strides = array<i32>} : memref<16384xf32, #tpu.memory_space<vmem>>, vector<16xf32>,
        %get3A_225 = vector.shape_cast %get3A_224 : vector<16xf32> to vector<16xf32>
        %mul3A_226 = arith.mulf %get3A_222, %get3A_225 : vector<16xf32>
        %swap3A_227 = arith.index_cast %mul3A_219 : i32 to index
        %swap3A_228 = tpu.vector_load %arg10[%swap3A_227] {strides = array<i32>} : memref<16384xf32, #tpu.memory_space<vmem>>, vector<16xf32>,
        %swap3A_229 = vector.shape_cast %swap3A_228 : vector<16xf32> to vector<16xf32>
        %swap3A_230 = vector.shape_cast %mul3A_226 : vector<16xf32> to vector<16xf32>
        tpu.vector_store %arg10[%swap3A_227], %swap3A_230 {strides = array<i32>} : memref<16384xf32, #tpu.memory_space<vmem>>, vector<16xf32>,
      }
      %scan3A_47 = arith.constant 128 : i32
      %mul3A_48 = arith.constant 16384 : i32
      %mul3A_49 = arith.muli %mul3A_30, %mul3A_48 : i32
      %add3A_50 = arith.addi %mul3A_2, %mul3A_49 : i32
      %dma_start3A_51 = tpu.memref_slice %arg5[%add3A_50] : memref<16777216xf32, #tpu.memory_space<hbm>> -> memref<16384xf32, #tpu.memory_space<hbm>>
      %dma_start3A_52 = tpu.memref_slice %arg5[%add3A_50] : memref<16777216xf32, #tpu.memory_space<hbm>> -> memref<16384xf32, #tpu.memory_space<hbm>>
      tpu.enqueue_dma source(%arg10 : memref<16384xf32, #tpu.memory_space<vmem>>) target(%dma_start3A_52 : memref<16384xf32, #tpu.memory_space<hbm>>) target_semaphore(%arg18 : memref<!tpu.dma_semaphore, #tpu.memory_space<semaphore_mem>>)
      %add3A_53 = arith.constant 2 : i32
      %add3A_54 = arith.addi %mul3A_30, %add3A_53 : i32
      %lt3A_55 = arith.constant 32 : i32
      %lt3A_56 = arith.cmpi slt, %add3A_54, %lt3A_55 : i32
      %convert_element_type3A_57 = arith.extui %lt3A_56 : i1 to i32
      %cond3A_58 = arith.constant 0 : i32
      %cond3A_59 = arith.cmpi ne, %convert_element_type3A_57, %cond3A_58 : i32
      scf.if %cond3A_59 {
        %add3A_96 = arith.constant 2 : i32
        %add3A_97 = arith.addi %mul3A_30, %add3A_96 : i32
        %mul3A_98 = arith.constant 16384 : i32
        %mul3A_99 = arith.muli %add3A_97, %mul3A_98 : i32
        %add3A_100 = arith.addi %mul3A_2, %mul3A_99 : i32
        %dma_start3A_101 = tpu.memref_slice %arg3[%add3A_100] : memref<16777216xi32, #tpu.memory_space<hbm>> -> memref<16384xi32, #tpu.memory_space<hbm>>
        %dma_start3A_102 = tpu.memref_slice %arg3[%add3A_100] : memref<16777216xi32, #tpu.memory_space<hbm>> -> memref<16384xi32, #tpu.memory_space<hbm>>
        tpu.enqueue_dma source(%dma_start3A_102 : memref<16384xi32, #tpu.memory_space<hbm>>) target(%arg6 : memref<16384xi32, #tpu.memory_space<vmem>>) target_semaphore(%arg12 : memref<!tpu.dma_semaphore, #tpu.memory_space<semaphore_mem>>)
        %dma_start3A_103 = tpu.memref_slice %arg4[%add3A_100] : memref<16777216xf32, #tpu.memory_space<hbm>> -> memref<16384xf32, #tpu.memory_space<hbm>>
        %dma_start3A_104 = tpu.memref_slice %arg4[%add3A_100] : memref<16777216xf32, #tpu.memory_space<hbm>> -> memref<16384xf32, #tpu.memory_space<hbm>>
        tpu.enqueue_dma source(%dma_start3A_104 : memref<16384xf32, #tpu.memory_space<hbm>>) target(%arg8 : memref<16384xf32, #tpu.memory_space<vmem>>) target_semaphore(%arg14 : memref<!tpu.dma_semaphore, #tpu.memory_space<semaphore_mem>>)
      } else {
      }
      %mul3A_60 = arith.constant 2 : i32
      %mul3A_61 = arith.muli %mul3A_60, %scan3A_28 : i32
      %add3A_62 = arith.constant 1 : i32
      %add3A_63 = arith.addi %mul3A_61, %add3A_62 : i32
      %add3A_64 = arith.constant 1 : i32
      %add3A_65 = arith.addi %add3A_63, %add3A_64 : i32
      %lt3A_66 = arith.constant 32 : i32
      %lt3A_67 = arith.cmpi slt, %add3A_65, %lt3A_66 : i32
      %convert_element_type3A_68 = arith.extui %lt3A_67 : i1 to i32
      %cond3A_69 = arith.constant 0 : i32
      %cond3A_70 = arith.cmpi ne, %convert_element_type3A_68, %cond3A_69 : i32
      scf.if %cond3A_70 {
        %add3A_96 = arith.constant 1 : i32
        %add3A_97 = arith.addi %add3A_63, %add3A_96 : i32
        %mul3A_98 = arith.constant 16384 : i32
        %mul3A_99 = arith.muli %add3A_97, %mul3A_98 : i32
        %add3A_100 = arith.addi %mul3A_2, %mul3A_99 : i32
        %dma_wait3A_101 = tpu.memref_slice %arg3[%add3A_100] : memref<16777216xi32, #tpu.memory_space<hbm>> -> memref<16384xi32, #tpu.memory_space<hbm>>
        %dma_wait3A_102 = tpu.memref_slice %arg3[%add3A_100] : memref<16777216xi32, #tpu.memory_space<hbm>> -> memref<16384xi32, #tpu.memory_space<hbm>>
        tpu.wait_dma2 semaphore(%arg12 : memref<!tpu.dma_semaphore, #tpu.memory_space<semaphore_mem>>) src(%dma_wait3A_102 : memref<16384xi32, #tpu.memory_space<hbm>>) dst(%arg6 : memref<16384xi32, #tpu.memory_space<vmem>>)
        %ge3A = arith.constant 1 : i32
        %ge3A_103 = arith.cmpi sge, %add3A_63, %ge3A : i32
        %convert_element_type3A_104 = arith.extui %ge3A_103 : i1 to i32
        %cond3A_105 = arith.constant 0 : i32
        %cond3A_106 = arith.cmpi ne, %convert_element_type3A_104, %cond3A_105 : i32
        scf.if %cond3A_106 {
          %sub3A = arith.constant 1 : i32
          %sub3A_109 = arith.subi %add3A_63, %sub3A : i32
          %mul3A_110 = arith.constant 16384 : i32
          %mul3A_111 = arith.muli %sub3A_109, %mul3A_110 : i32
          %add3A_112 = arith.addi %mul3A_2, %mul3A_111 : i32
          %dma_wait3A_113 = tpu.memref_slice %arg5[%add3A_112] : memref<16777216xf32, #tpu.memory_space<hbm>> -> memref<16384xf32, #tpu.memory_space<hbm>>
          %dma_wait3A_114 = tpu.memref_slice %arg5[%add3A_112] : memref<16777216xf32, #tpu.memory_space<hbm>> -> memref<16384xf32, #tpu.memory_space<hbm>>
          tpu.wait_dma2 semaphore(%arg18 : memref<!tpu.dma_semaphore, #tpu.memory_space<semaphore_mem>>) src(%arg10 : memref<16384xf32, #tpu.memory_space<vmem>>) dst(%dma_wait3A_114 : memref<16384xf32, #tpu.memory_space<hbm>>)
        } else {
        }
        %dma_start3A_107 = arith.constant 0 : i32
        %dma_start3A_108 = tpu.memref_slice %arg2[%dma_start3A_107] : memref<4194304xf32, #tpu.memory_space<hbm>> -> memref<4194304xf32, #tpu.memory_space<hbm>>
        tpu.enqueue_indirect_dma source(%dma_start3A_108 : memref<4194304xf32, #tpu.memory_space<hbm>>) target(%arg10 : memref<16384xf32, #tpu.memory_space<vmem>>) offsets(%arg6 : memref<16384xi32, #tpu.memory_space<vmem>>) semaphore(%arg16 : memref<!tpu.dma_semaphore, #tpu.memory_space<semaphore_mem>>)
      } else {
      }
      %dma_wait3A_71 = arith.constant 0 : i32
      %dma_wait3A_72 = tpu.memref_slice %arg2[%dma_wait3A_71] : memref<4194304xf32, #tpu.memory_space<hbm>> -> memref<4194304xf32, #tpu.memory_space<hbm>>
      tpu.wait_indirect_dma semaphore(%arg17 : memref<!tpu.dma_semaphore, #tpu.memory_space<semaphore_mem>>) src(%dma_wait3A_72 : memref<4194304xf32, #tpu.memory_space<hbm>>) dst(%arg11 : memref<16384xf32, #tpu.memory_space<vmem>>)
      %mul3A_73 = arith.constant 16384 : i32
      %mul3A_74 = arith.muli %add3A_63, %mul3A_73 : i32
      %add3A_75 = arith.addi %mul3A_2, %mul3A_74 : i32
      %dma_wait3A_76 = tpu.memref_slice %arg4[%add3A_75] : memref<16777216xf32, #tpu.memory_space<hbm>> -> memref<16384xf32, #tpu.memory_space<hbm>>
      %dma_wait3A_77 = tpu.memref_slice %arg4[%add3A_75] : memref<16777216xf32, #tpu.memory_space<hbm>> -> memref<16384xf32, #tpu.memory_space<hbm>>
      tpu.wait_dma2 semaphore(%arg15 : memref<!tpu.dma_semaphore, #tpu.memory_space<semaphore_mem>>) src(%dma_wait3A_77 : memref<16384xf32, #tpu.memory_space<hbm>>) dst(%arg9 : memref<16384xf32, #tpu.memory_space<vmem>>)
      %scan3A_78 = arith.constant 0 : i32
      %scan3A_79 = arith.constant 0 : i32
      %scan3A_80 = arith.constant 128 : i32
      %scan3A_81 = arith.addi %scan3A_79, %scan3A_80 : i32
      %scan3A_82 = arith.constant 1 : i32
      scf.for %scan3A_96 = %scan3A_79 to %scan3A_81 step %scan3A_82  : i32 {
        %mul3A_97 = arith.constant 8 : i32
        %mul3A_98 = arith.muli %scan3A_96, %mul3A_97 : i32
        %add3A_99 = arith.constant 0 : i32
        %add3A_100 = arith.addi %mul3A_98, %add3A_99 : i32
        %mul3A_101 = arith.constant 16 : i32
        %mul3A_102 = arith.muli %add3A_100, %mul3A_101 : i32
        %get3A = arith.index_cast %mul3A_102 : i32 to index
        %get3A_103 = tpu.vector_load %arg11[%get3A] {strides = array<i32>} : memref<16384xf32, #tpu.memory_space<vmem>>, vector<16xf32>,
        %get3A_104 = vector.shape_cast %get3A_103 : vector<16xf32> to vector<16xf32>
        %get3A_105 = arith.index_cast %mul3A_102 : i32 to index
        %get3A_106 = tpu.vector_load %arg9[%get3A_105] {strides = array<i32>} : memref<16384xf32, #tpu.memory_space<vmem>>, vector<16xf32>,
        %get3A_107 = vector.shape_cast %get3A_106 : vector<16xf32> to vector<16xf32>
        %mul3A_108 = arith.mulf %get3A_104, %get3A_107 : vector<16xf32>
        %swap3A = arith.index_cast %mul3A_102 : i32 to index
        %swap3A_109 = tpu.vector_load %arg11[%swap3A] {strides = array<i32>} : memref<16384xf32, #tpu.memory_space<vmem>>, vector<16xf32>,
        %swap3A_110 = vector.shape_cast %swap3A_109 : vector<16xf32> to vector<16xf32>
        %swap3A_111 = vector.shape_cast %mul3A_108 : vector<16xf32> to vector<16xf32>
        tpu.vector_store %arg11[%swap3A], %swap3A_111 {strides = array<i32>} : memref<16384xf32, #tpu.memory_space<vmem>>, vector<16xf32>,
        %mul3A_112 = arith.constant 8 : i32
        %mul3A_113 = arith.muli %scan3A_96, %mul3A_112 : i32
        %add3A_114 = arith.constant 1 : i32
        %add3A_115 = arith.addi %mul3A_113, %add3A_114 : i32
        %mul3A_116 = arith.constant 16 : i32
        %mul3A_117 = arith.muli %add3A_115, %mul3A_116 : i32
        %get3A_118 = arith.index_cast %mul3A_117 : i32 to index
        %get3A_119 = tpu.vector_load %arg11[%get3A_118] {strides = array<i32>} : memref<16384xf32, #tpu.memory_space<vmem>>, vector<16xf32>,
        %get3A_120 = vector.shape_cast %get3A_119 : vector<16xf32> to vector<16xf32>
        %get3A_121 = arith.index_cast %mul3A_117 : i32 to index
        %get3A_122 = tpu.vector_load %arg9[%get3A_121] {strides = array<i32>} : memref<16384xf32, #tpu.memory_space<vmem>>, vector<16xf32>,
        %get3A_123 = vector.shape_cast %get3A_122 : vector<16xf32> to vector<16xf32>
        %mul3A_124 = arith.mulf %get3A_120, %get3A_123 : vector<16xf32>
        %swap3A_125 = arith.index_cast %mul3A_117 : i32 to index
        %swap3A_126 = tpu.vector_load %arg11[%swap3A_125] {strides = array<i32>} : memref<16384xf32, #tpu.memory_space<vmem>>, vector<16xf32>,
        %swap3A_127 = vector.shape_cast %swap3A_126 : vector<16xf32> to vector<16xf32>
        %swap3A_128 = vector.shape_cast %mul3A_124 : vector<16xf32> to vector<16xf32>
        tpu.vector_store %arg11[%swap3A_125], %swap3A_128 {strides = array<i32>} : memref<16384xf32, #tpu.memory_space<vmem>>, vector<16xf32>,
        %mul3A_129 = arith.constant 8 : i32
        %mul3A_130 = arith.muli %scan3A_96, %mul3A_129 : i32
        %add3A_131 = arith.constant 2 : i32
        %add3A_132 = arith.addi %mul3A_130, %add3A_131 : i32
        %mul3A_133 = arith.constant 16 : i32
        %mul3A_134 = arith.muli %add3A_132, %mul3A_133 : i32
        %get3A_135 = arith.index_cast %mul3A_134 : i32 to index
        %get3A_136 = tpu.vector_load %arg11[%get3A_135] {strides = array<i32>} : memref<16384xf32, #tpu.memory_space<vmem>>, vector<16xf32>,
        %get3A_137 = vector.shape_cast %get3A_136 : vector<16xf32> to vector<16xf32>
        %get3A_138 = arith.index_cast %mul3A_134 : i32 to index
        %get3A_139 = tpu.vector_load %arg9[%get3A_138] {strides = array<i32>} : memref<16384xf32, #tpu.memory_space<vmem>>, vector<16xf32>,
        %get3A_140 = vector.shape_cast %get3A_139 : vector<16xf32> to vector<16xf32>
        %mul3A_141 = arith.mulf %get3A_137, %get3A_140 : vector<16xf32>
        %swap3A_142 = arith.index_cast %mul3A_134 : i32 to index
        %swap3A_143 = tpu.vector_load %arg11[%swap3A_142] {strides = array<i32>} : memref<16384xf32, #tpu.memory_space<vmem>>, vector<16xf32>,
        %swap3A_144 = vector.shape_cast %swap3A_143 : vector<16xf32> to vector<16xf32>
        %swap3A_145 = vector.shape_cast %mul3A_141 : vector<16xf32> to vector<16xf32>
        tpu.vector_store %arg11[%swap3A_142], %swap3A_145 {strides = array<i32>} : memref<16384xf32, #tpu.memory_space<vmem>>, vector<16xf32>,
        %mul3A_146 = arith.constant 8 : i32
        %mul3A_147 = arith.muli %scan3A_96, %mul3A_146 : i32
        %add3A_148 = arith.constant 3 : i32
        %add3A_149 = arith.addi %mul3A_147, %add3A_148 : i32
        %mul3A_150 = arith.constant 16 : i32
        %mul3A_151 = arith.muli %add3A_149, %mul3A_150 : i32
        %get3A_152 = arith.index_cast %mul3A_151 : i32 to index
        %get3A_153 = tpu.vector_load %arg11[%get3A_152] {strides = array<i32>} : memref<16384xf32, #tpu.memory_space<vmem>>, vector<16xf32>,
        %get3A_154 = vector.shape_cast %get3A_153 : vector<16xf32> to vector<16xf32>
        %get3A_155 = arith.index_cast %mul3A_151 : i32 to index
        %get3A_156 = tpu.vector_load %arg9[%get3A_155] {strides = array<i32>} : memref<16384xf32, #tpu.memory_space<vmem>>, vector<16xf32>,
        %get3A_157 = vector.shape_cast %get3A_156 : vector<16xf32> to vector<16xf32>
        %mul3A_158 = arith.mulf %get3A_154, %get3A_157 : vector<16xf32>
        %swap3A_159 = arith.index_cast %mul3A_151 : i32 to index
        %swap3A_160 = tpu.vector_load %arg11[%swap3A_159] {strides = array<i32>} : memref<16384xf32, #tpu.memory_space<vmem>>, vector<16xf32>,
        %swap3A_161 = vector.shape_cast %swap3A_160 : vector<16xf32> to vector<16xf32>
        %swap3A_162 = vector.shape_cast %mul3A_158 : vector<16xf32> to vector<16xf32>
        tpu.vector_store %arg11[%swap3A_159], %swap3A_162 {strides = array<i32>} : memref<16384xf32, #tpu.memory_space<vmem>>, vector<16xf32>,
        %mul3A_163 = arith.constant 8 : i32
        %mul3A_164 = arith.muli %scan3A_96, %mul3A_163 : i32
        %add3A_165 = arith.constant 4 : i32
        %add3A_166 = arith.addi %mul3A_164, %add3A_165 : i32
        %mul3A_167 = arith.constant 16 : i32
        %mul3A_168 = arith.muli %add3A_166, %mul3A_167 : i32
        %get3A_169 = arith.index_cast %mul3A_168 : i32 to index
        %get3A_170 = tpu.vector_load %arg11[%get3A_169] {strides = array<i32>} : memref<16384xf32, #tpu.memory_space<vmem>>, vector<16xf32>,
        %get3A_171 = vector.shape_cast %get3A_170 : vector<16xf32> to vector<16xf32>
        %get3A_172 = arith.index_cast %mul3A_168 : i32 to index
        %get3A_173 = tpu.vector_load %arg9[%get3A_172] {strides = array<i32>} : memref<16384xf32, #tpu.memory_space<vmem>>, vector<16xf32>,
        %get3A_174 = vector.shape_cast %get3A_173 : vector<16xf32> to vector<16xf32>
        %mul3A_175 = arith.mulf %get3A_171, %get3A_174 : vector<16xf32>
        %swap3A_176 = arith.index_cast %mul3A_168 : i32 to index
        %swap3A_177 = tpu.vector_load %arg11[%swap3A_176] {strides = array<i32>} : memref<16384xf32, #tpu.memory_space<vmem>>, vector<16xf32>,
        %swap3A_178 = vector.shape_cast %swap3A_177 : vector<16xf32> to vector<16xf32>
        %swap3A_179 = vector.shape_cast %mul3A_175 : vector<16xf32> to vector<16xf32>
        tpu.vector_store %arg11[%swap3A_176], %swap3A_179 {strides = array<i32>} : memref<16384xf32, #tpu.memory_space<vmem>>, vector<16xf32>,
        %mul3A_180 = arith.constant 8 : i32
        %mul3A_181 = arith.muli %scan3A_96, %mul3A_180 : i32
        %add3A_182 = arith.constant 5 : i32
        %add3A_183 = arith.addi %mul3A_181, %add3A_182 : i32
        %mul3A_184 = arith.constant 16 : i32
        %mul3A_185 = arith.muli %add3A_183, %mul3A_184 : i32
        %get3A_186 = arith.index_cast %mul3A_185 : i32 to index
        %get3A_187 = tpu.vector_load %arg11[%get3A_186] {strides = array<i32>} : memref<16384xf32, #tpu.memory_space<vmem>>, vector<16xf32>,
        %get3A_188 = vector.shape_cast %get3A_187 : vector<16xf32> to vector<16xf32>
        %get3A_189 = arith.index_cast %mul3A_185 : i32 to index
        %get3A_190 = tpu.vector_load %arg9[%get3A_189] {strides = array<i32>} : memref<16384xf32, #tpu.memory_space<vmem>>, vector<16xf32>,
        %get3A_191 = vector.shape_cast %get3A_190 : vector<16xf32> to vector<16xf32>
        %mul3A_192 = arith.mulf %get3A_188, %get3A_191 : vector<16xf32>
        %swap3A_193 = arith.index_cast %mul3A_185 : i32 to index
        %swap3A_194 = tpu.vector_load %arg11[%swap3A_193] {strides = array<i32>} : memref<16384xf32, #tpu.memory_space<vmem>>, vector<16xf32>,
        %swap3A_195 = vector.shape_cast %swap3A_194 : vector<16xf32> to vector<16xf32>
        %swap3A_196 = vector.shape_cast %mul3A_192 : vector<16xf32> to vector<16xf32>
        tpu.vector_store %arg11[%swap3A_193], %swap3A_196 {strides = array<i32>} : memref<16384xf32, #tpu.memory_space<vmem>>, vector<16xf32>,
        %mul3A_197 = arith.constant 8 : i32
        %mul3A_198 = arith.muli %scan3A_96, %mul3A_197 : i32
        %add3A_199 = arith.constant 6 : i32
        %add3A_200 = arith.addi %mul3A_198, %add3A_199 : i32
        %mul3A_201 = arith.constant 16 : i32
        %mul3A_202 = arith.muli %add3A_200, %mul3A_201 : i32
        %get3A_203 = arith.index_cast %mul3A_202 : i32 to index
        %get3A_204 = tpu.vector_load %arg11[%get3A_203] {strides = array<i32>} : memref<16384xf32, #tpu.memory_space<vmem>>, vector<16xf32>,
        %get3A_205 = vector.shape_cast %get3A_204 : vector<16xf32> to vector<16xf32>
        %get3A_206 = arith.index_cast %mul3A_202 : i32 to index
        %get3A_207 = tpu.vector_load %arg9[%get3A_206] {strides = array<i32>} : memref<16384xf32, #tpu.memory_space<vmem>>, vector<16xf32>,
        %get3A_208 = vector.shape_cast %get3A_207 : vector<16xf32> to vector<16xf32>
        %mul3A_209 = arith.mulf %get3A_205, %get3A_208 : vector<16xf32>
        %swap3A_210 = arith.index_cast %mul3A_202 : i32 to index
        %swap3A_211 = tpu.vector_load %arg11[%swap3A_210] {strides = array<i32>} : memref<16384xf32, #tpu.memory_space<vmem>>, vector<16xf32>,
        %swap3A_212 = vector.shape_cast %swap3A_211 : vector<16xf32> to vector<16xf32>
        %swap3A_213 = vector.shape_cast %mul3A_209 : vector<16xf32> to vector<16xf32>
        tpu.vector_store %arg11[%swap3A_210], %swap3A_213 {strides = array<i32>} : memref<16384xf32, #tpu.memory_space<vmem>>, vector<16xf32>,
        %mul3A_214 = arith.constant 8 : i32
        %mul3A_215 = arith.muli %scan3A_96, %mul3A_214 : i32
        %add3A_216 = arith.constant 7 : i32
        %add3A_217 = arith.addi %mul3A_215, %add3A_216 : i32
        %mul3A_218 = arith.constant 16 : i32
        %mul3A_219 = arith.muli %add3A_217, %mul3A_218 : i32
        %get3A_220 = arith.index_cast %mul3A_219 : i32 to index
        %get3A_221 = tpu.vector_load %arg11[%get3A_220] {strides = array<i32>} : memref<16384xf32, #tpu.memory_space<vmem>>, vector<16xf32>,
        %get3A_222 = vector.shape_cast %get3A_221 : vector<16xf32> to vector<16xf32>
        %get3A_223 = arith.index_cast %mul3A_219 : i32 to index
        %get3A_224 = tpu.vector_load %arg9[%get3A_223] {strides = array<i32>} : memref<16384xf32, #tpu.memory_space<vmem>>, vector<16xf32>,
        %get3A_225 = vector.shape_cast %get3A_224 : vector<16xf32> to vector<16xf32>
        %mul3A_226 = arith.mulf %get3A_222, %get3A_225 : vector<16xf32>
        %swap3A_227 = arith.index_cast %mul3A_219 : i32 to index
        %swap3A_228 = tpu.vector_load %arg11[%swap3A_227] {strides = array<i32>} : memref<16384xf32, #tpu.memory_space<vmem>>, vector<16xf32>,
        %swap3A_229 = vector.shape_cast %swap3A_228 : vector<16xf32> to vector<16xf32>
        %swap3A_230 = vector.shape_cast %mul3A_226 : vector<16xf32> to vector<16xf32>
        tpu.vector_store %arg11[%swap3A_227], %swap3A_230 {strides = array<i32>} : memref<16384xf32, #tpu.memory_space<vmem>>, vector<16xf32>,
      }
      %scan3A_83 = arith.constant 128 : i32
      %mul3A_84 = arith.constant 16384 : i32
      %mul3A_85 = arith.muli %add3A_63, %mul3A_84 : i32
      %add3A_86 = arith.addi %mul3A_2, %mul3A_85 : i32
      %dma_start3A_87 = tpu.memref_slice %arg5[%add3A_86] : memref<16777216xf32, #tpu.memory_space<hbm>> -> memref<16384xf32, #tpu.memory_space<hbm>>
      %dma_start3A_88 = tpu.memref_slice %arg5[%add3A_86] : memref<16777216xf32, #tpu.memory_space<hbm>> -> memref<16384xf32, #tpu.memory_space<hbm>>
      tpu.enqueue_dma source(%arg11 : memref<16384xf32, #tpu.memory_space<vmem>>) target(%dma_start3A_88 : memref<16384xf32, #tpu.memory_space<hbm>>) target_semaphore(%arg19 : memref<!tpu.dma_semaphore, #tpu.memory_space<semaphore_mem>>)
      %add3A_89 = arith.constant 2 : i32
      %add3A_90 = arith.addi %add3A_63, %add3A_89 : i32
      %lt3A_91 = arith.constant 32 : i32
      %lt3A_92 = arith.cmpi slt, %add3A_90, %lt3A_91 : i32
      %convert_element_type3A_93 = arith.extui %lt3A_92 : i1 to i32
      %cond3A_94 = arith.constant 0 : i32
      %cond3A_95 = arith.cmpi ne, %convert_element_type3A_93, %cond3A_94 : i32
      scf.if %cond3A_95 {
        %add3A_96 = arith.constant 2 : i32
        %add3A_97 = arith.addi %add3A_63, %add3A_96 : i32
        %mul3A_98 = arith.constant 16384 : i32
        %mul3A_99 = arith.muli %add3A_97, %mul3A_98 : i32
        %add3A_100 = arith.addi %mul3A_2, %mul3A_99 : i32
        %dma_start3A_101 = tpu.memref_slice %arg3[%add3A_100] : memref<16777216xi32, #tpu.memory_space<hbm>> -> memref<16384xi32, #tpu.memory_space<hbm>>
        %dma_start3A_102 = tpu.memref_slice %arg3[%add3A_100] : memref<16777216xi32, #tpu.memory_space<hbm>> -> memref<16384xi32, #tpu.memory_space<hbm>>
        tpu.enqueue_dma source(%dma_start3A_102 : memref<16384xi32, #tpu.memory_space<hbm>>) target(%arg7 : memref<16384xi32, #tpu.memory_space<vmem>>) target_semaphore(%arg13 : memref<!tpu.dma_semaphore, #tpu.memory_space<semaphore_mem>>)
        %dma_start3A_103 = tpu.memref_slice %arg4[%add3A_100] : memref<16777216xf32, #tpu.memory_space<hbm>> -> memref<16384xf32, #tpu.memory_space<hbm>>
        %dma_start3A_104 = tpu.memref_slice %arg4[%add3A_100] : memref<16777216xf32, #tpu.memory_space<hbm>> -> memref<16384xf32, #tpu.memory_space<hbm>>
        tpu.enqueue_dma source(%dma_start3A_104 : memref<16384xf32, #tpu.memory_space<hbm>>) target(%arg9 : memref<16384xf32, #tpu.memory_space<vmem>>) target_semaphore(%arg15 : memref<!tpu.dma_semaphore, #tpu.memory_space<semaphore_mem>>)
      } else {
      }
    }
    %scan3A_23 = arith.constant 16 : i32
    %add3A_24 = arith.constant 507904 : i32
    %add3A_25 = arith.addi %mul3A_2, %add3A_24 : i32
    %dma_wait3A_26 = tpu.memref_slice %arg5[%add3A_25] : memref<16777216xf32, #tpu.memory_space<hbm>> -> memref<16384xf32, #tpu.memory_space<hbm>>
    %dma_wait3A_27 = tpu.memref_slice %arg5[%add3A_25] : memref<16777216xf32, #tpu.memory_space<hbm>> -> memref<16384xf32, #tpu.memory_space<hbm>>
    tpu.wait_dma2 semaphore(%arg19 : memref<!tpu.dma_semaphore, #tpu.memory_space<semaphore_mem>>) src(%arg11 : memref<16384xf32, #tpu.memory_space<vmem>>) dst(%dma_wait3A_27 : memref<16384xf32, #tpu.memory_space<hbm>>)
    return
  }
}

</mosaic_0001>

<sc_bundles>
// kernel: _sslt.3.cloned.1.call-start
scs
__scs_entry_jumppad:
0x0: {  	(pc) =	sbr.rel $0x88, $3  }
0x1: {  	(tag) =	ssettag $0x0;
	lr =	simm.s32 $0x1  }
0x2: {  	[smem:$0x3F9E] =	sst lr;
	_ =	strace $0xD0000000  }
0x3: {  	_ = 	snop  }
0x4: {  	_ = 	snop  }
0x5: {  	_ = 	snop  }
0x6: {  	_ = 	snop  }
0x7: {  	_ = 	snop  }
__scs_overlays_trampoline_lowered:
0x8: {  	[smem:$0x3FAD] =	sst s0  }
0x9: {  	[smem:$0x3FAE] =	sst s1  }
0xa: {  	[smem:$0x3FAF] =	sst s2  }
0xb: {  	[smem:$0x3FB0] =	sst s3  }
0xc: {  	[smem:$0x3FB1] =	sst s4  }
0xd: {  	[smem:$0x3FB2] =	sst s5  }
0xe: {  	[smem:$0x3FB3] =	sst s6  }
0xf: {  	[smem:$0x3FB4] =	sst s7  }
0x10: {  	[smem:$0x3FB5] =	sst s8  }
0x11: {  	[smem:$0x3FB6] =	sst s9;
	s0 =	simm.s32 @!p0 $0x0  }
0x12: {  	s1 =	sld [smem:$0x3F9C];
	s0 =	simm.s32 @p0 $0x1  }
0x13: {  	[smem:$0x3FB7] =	sst s0;
	s0 =	simm.s32 @!p1 $0x0  }
0x14: {  	s2 =	sld [smem:$0x3F9B];
	s0 =	simm.s32 @p1 $0x1  }
0x15: {  	[smem:$0x3FB8] =	sst s0;
	s0 =	simm.s32 @!p2 $0x0  }
0x16: {  	s3 =	sld [smem:$0x3FDB];
	s0 =	simm.s32 @p2 $0x1  }
0x17: {  	s4 =	simm.s32 $0x1BF5;
	[smem:$0x3FBA] =	sst s0  }
0x18: {  	s0 =	sld [smem:$0x3F9D];
	_ =	swait.ge [sflag:s4], $0x0  }
0x19: {  	s7 =	sld [smem:$0x3F9E]  }
0x1a: {  	s8 =	sadd.s32 $0xFFFFE003, lr  }
0x1b: {  	s9 =	sadd.s32 $0xFFFFFEF7, lr;
	s5 =	simm.s32 $0xFFFFFFFF;
	p2 =	slt.u32 s8, $0xFFFFF086  }
0x1c: {  	p1 =	slt.u32 s9, $0xF7A;
	s5 =	simm.s32 @!p2 $0x0  }
0x1d: {  	s5 =	simm.s32 @p1 $0x1;
	p0 =	seq.s32 s7, s2  }
0x1e: {  	s7 =	smul.u32 @!p0 $0xF7A, s2;
	p2 =	seq.s32 @!p0 s5, $0x0  }
0x1f: {  	s9 =	smul.u32 $0xF7A, s1;
	s8 =	simm.s32 @!p0 $0x1BF5;
	p2 =	por !p2, p0  }
0x20: {  	[sflag:s8] =	ssyncset.s32 @!p0 $0xFFFFF086;
	s6 =	sadd.s32 @!p0 s3, s7;
	s7 =	simm.s32 @!p0 $0x108  }
0x21: {  	s3 =	sadd.s32 s3, s9;
	s6 =	sadd.s32 @!p0 $0x88, s6;
	s7 =	simm.s32 @p2 $0x1082  }
0x22: {  	[simem:s7], [sflag:s8] =	dma.local @!p0 [hbm:s6], $0xF7A  }
0x23: {  	s9 =	sor.u32 $0xD0000000, s2;
	s6 =	simm.s32 $0x108;
	_ =	swait.ge @!p0 [sflag:s8], $0x0  }
0x24: {  	s3 =	sadd.s32 $0x88, s3;
	s6 =	simm.s32 @!p1 $0x1082;
	[sflag:s4] =	ssyncset.s32 $0xFFFFF086  }
0x25: {  	[simem:s6], [sflag:s4] =	dma.local [hbm:s3], $0xF7A  }
0x26: {  	[smem:$0x3F9E] =	sst s1;
	(tag) =	ssettag s2;
	_ =	strace s9  }
0x27: {  	s1 =	sld [smem:$0x3FAE]  }
0x28: {  	s2 =	sld [smem:$0x3FAF]  }
0x29: {  	s4 =	sld [smem:$0x3FB1]  }
0x2a: {  	p0 =	seq.s32 s5, $0x0;
	s5 =	sld [smem:$0x3FB2]  }
0x2b: {  	s6 =	sld [smem:$0x3FB3]  }
0x2c: {  	s7 =	sld [smem:$0x3FB4]  }
0x2d: {  	s3 =	simm.s32 $0x108;
	s8 =	sld [smem:$0x3FB5]  }
0x2e: {  	s3 =	simm.s32 @!p0 $0x1082;
	s9 =	sld [smem:$0x3FB6]  }
0x2f: {  	lr =	sadd.s32 s0, s3;
	s0 =	sld [smem:$0x3FAD]  }
0x30: {  	s3 =	sld [smem:$0x3FB0]  }
0x31: {  	[smem:$0x3FB9] =	sst s10  }
0x32: {  	s10 =	sld [smem:$0x3FB7];
	_ =	sdelay $0x3  }
0x33: {  	p0 =	seq.s32 s10, $0x1;
	s10 =	sld [smem:$0x3FB9];
	_ =	sdelay $0x3  }
0x34: {  	[smem:$0x3FB9] =	sst s10  }
0x35: {  	s10 =	sld [smem:$0x3FB8];
	_ =	sdelay $0x3  }
0x36: {  	p1 =	seq.s32 s10, $0x1;
	s10 =	sld [smem:$0x3FB9];
	_ =	sdelay $0x3  }
0x37: {  	[smem:$0x3FB9] =	sst s10  }
0x38: {  	s10 =	sld [smem:$0x3FBA]  }
0x39: {  	_ = 	snop;
	(pc) =	sbr.ind lr, $3  }
0x3a: {  	_ = 	snop  }
0x3b: {  	_ = 	snop  }
0x3c: {  	p2 =	seq.s32 s10, $0x1;
	s10 =	sld [smem:$0x3FB9]  }
0x3d: {  	_ =	shalt  }
0x3e: {  	_ =	shalt  }
0x3f: {  	_ =	shalt  }
0x40: {  	_ =	shalt  }
0x41: {  	_ =	shalt  }
0x42: {  	_ =	shalt  }
0x43: {  	_ =	shalt  }
0x44: {  	_ =	shalt  }
0x45: {  	_ =	shalt  }
0x46: {  	_ =	shalt  }
0x47: {  	_ =	shalt  }
0x48: {  	_ =	shalt  }
0x49: {  	_ =	shalt  }
0x4a: {  	_ =	shalt  }
0x4b: {  	_ =	shalt  }
0x4c: {  	_ =	shalt  }
0x4d: {  	_ =	shalt  }
0x4e: {  	_ =	shalt  }
0x4f: {  	_ =	shalt  }
0x50: {  	_ =	shalt  }
0x51: {  	_ =	shalt  }
0x52: {  	_ =	shalt  }
0x53: {  	_ =	shalt  }
0x54: {  	_ =	shalt  }
0x55: {  	_ =	shalt  }
0x56: {  	_ =	shalt  }
0x57: {  	_ =	shalt  }
0x58: {  	_ =	shalt  }
0x59: {  	_ =	shalt  }
0x5a: {  	_ =	shalt  }
0x5b: {  	_ =	shalt  }
0x5c: {  	_ =	shalt  }
0x5d: {  	_ =	shalt  }
0x5e: {  	_ =	shalt  }
0x5f: {  	_ =	shalt  }
0x60: {  	_ =	shalt  }
0x61: {  	_ =	shalt  }
0x62: {  	_ =	shalt  }
0x63: {  	_ =	shalt  }
0x64: {  	_ =	shalt  }
0x65: {  	_ =	shalt  }
0x66: {  	_ =	shalt  }
0x67: {  	_ =	shalt  }
0x68: {  	_ =	shalt  }
0x69: {  	_ =	shalt  }
0x6a: {  	_ =	shalt  }
0x6b: {  	_ =	shalt  }
0x6c: {  	_ =	shalt  }
0x6d: {  	_ =	shalt  }
0x6e: {  	_ =	shalt  }
0x6f: {  	_ =	shalt  }
0x70: {  	_ =	shalt  }
0x71: {  	_ =	shalt  }
0x72: {  	_ =	shalt  }
0x73: {  	_ =	shalt  }
0x74: {  	_ =	shalt  }
0x75: {  	_ =	shalt  }
0x76: {  	_ =	shalt  }
0x77: {  	_ =	shalt  }
0x78: {  	_ =	shalt  }
0x79: {  	_ =	shalt  }
0x7a: {  	_ =	shalt  }
0x7b: {  	_ =	shalt  }
0x7c: {  	_ =	shalt  }
0x7d: {  	_ =	shalt  }
0x7e: {  	_ =	shalt  }
0x7f: {  	_ =	shalt  }
0x80: {  	_ =	shalt  }
0x81: {  	_ =	shalt  }
0x82: {  	_ =	shalt  }
0x83: {  	_ =	shalt  }
0x84: {  	_ =	shalt  }
0x85: {  	_ =	shalt  }
0x86: {  	_ =	shalt  }
0x87: {  	_ =	shalt  }
.Lfunc_end0:
.L_simem_size_0:
called_computation_lowered:
.L_overlay_start_0:
0x88: {  	s2 =	sld [smem:$0x3FD9]  }
0x89: {  	s3 =	sld [smem:$0x3FFE];
	_ =	sdelay $0x1  }
0x8a: {  	s1 =	srdreg.scid  }
0x8b: {  	s0 =	sand.u32 $0x1, s1  }
0x8c: {  	s18 =	sshll.u32 s0, $0xA;
	s2 =	sadd.s32 s3, s2  }
0x8d: {  	s2 =	sadd.s32 s2, s18  }
0x8e: {  	[smem:$0x3FC5] =	sst s2  }
0x8f: {  	_ = 	snop  }
0x90: {  	s2 =	sld [smem:$0x3FC9]  }
0x91: {  	s19 =	sld [smem:$0x3FC8]  }
0x92: {  	s4 =	sld [smem:$0x3FC7]  }
0x93: {  	s5 =	sld [smem:$0x3FD0];
	(tm) =	ssettm $0x1  }
0x94: {  	s6 =	sld [smem:$0x3FFB];
	_ =	sdelay $0x3  }
0x95: {  	_ =	strace s6  }
0x96: {  	s6 =	sld [smem:$0x3FFC];
	_ =	sdelay $0x3  }
0x97: {  	_ =	strace s6  }
0x98: {  	s6 =	sld [smem:$0x3FFD];
	_ =	sdelay $0x3  }
0x99: {  	_ =	strace s6  }
0x9a: {  	_ =	strace $0x8FFFFFFF  }
0x9b: {  	s20 =	sld [smem:$0x3FDB];
	_ =	sdelay $0x1  }
0x9c: {  	s7 =	simm.s32 $_scs_section_size  }
0x9d: {  	s8 =	simm.s32 $_size__tile_overlayer_lowered;
	s9 =	simm.s32 $_tile_overlayer_lowered  }
0x9e: {  	s23 =	simm.s32 $0x1BFF;
	s22 =	sshll.u32 s9, $0x1;
	s6 =	sadd.s32 s7, s20  }
0x9f: {  	s10 =	simm.s32 $0x0;
	s21 =	sshll.u32 s8, $0x1;
	s8 =	sadd.s32 s22, s6  }
0xa0: {  	[timem:s10], [sflag:s23] =	dma.local [hbm:s8], s21  }
0xa1: {  	_ =	swait.ge [sflag:s23], s21  }
0xa2: {  	s7 =	ssub.s32 $0x0, s21;
	[sflag:s23] =	ssyncset.done $0x0  }
0xa3: {  	[sflag:s23] =	ssyncadd.s32 s7;
	_ =	sdelay $0x1  }
0xa4: {  	s24 =	simm.s32 $0x1B8B  }
0xa5: {  	_ =	swait.ge [sflag:s24], $0x1  }
0xa6: {  	[sflag:s24] =	ssyncset.done $0x0  }
0xa7: {  	s25 =	simm.s32 $0x1B8E;
	[sflag:s24] =	ssyncadd.s32 $0xFFFFFFFF  }
0xa8: {  	s26 =	simm.s32 $execute0_lowered;
	[smem:$0x3FD2] =	sst s25  }
0xa9: {  	s7 =	sshll.u32 s26, $0x1;
	_ =	strace $0x80000046;
	[dreg:$0x1] =	wrdreg $0xFFFFFFFF  }
0xaa: {  	s28 =	simm.s32 $_size_execute0_lowered;
	s6 =	sadd.s32 s6, s7;
	[dreg:$0x0] =	wrdreg $0x0  }
0xab: {  	s7 =	sshll.u32 s28, $0x1;
	[dreg:$0x2] =	wrdreg s6  }
0xac: {  	[dreg:$0x3] =	wrdreg s7  }
0xad: {  	[dreg:$0x4] =	wrdreg $0xC0  }
0xae: {  	_ =	task [dreg:s10], $0x5FFFF  }
0xaf: {  	[dreg:$0x1] =	wrdreg $0xFFFFFFFF  }
0xb0: {  	[dreg:$0x0] =	wrdreg $0x60  }
0xb1: {  	[dreg:$0x2] =	wrdreg s2  }
0xb2: {  	[dreg:$0x3] =	wrdreg s19  }
0xb3: {  	[dreg:$0x4] =	wrdreg s4  }
0xb4: {  	[dreg:$0x5] =	wrdreg s5  }
0xb5: {  	[dreg:$0x6] =	wrdreg $0x9  }
0xb6: {  	_ =	task.clear_ibuf [dreg:s10], $0x7FFFF;
	_ =	strace $0x90000046  }
0xb7: {  	s29 =	simm.s32 $0x9;
	_ =	strace $0x80000048  }
0xb8: {  	_ =	swait.ge [sflag:s29], $0x1  }
0xb9: {  	[sflag:s29] =	ssyncadd.s32 $0xFFFFFFFF  }
0xba: {  	_ =	strace $0x90000048  }
0xbb: {  	_ =	sfence  }
0xbc: {  	s30 =	sld [smem:$0x0];
	_ =	sdelay $0x2  }
0xbd: {  	s31 =	sshll.u32 s1, $0xD;
	s1 =	sshrl.u32 s1, $0x2  }
0xbe: {  	s3 =	sand.u32 $0x4000, s31;
	s1 =	sadd.s32 s1, s30  }
0xbf: {  	s0 =	sor.u32 s3, s0;
	s1 =	sshll.u32 s1, $0x11  }
0xc0: {  	s0 =	sor.u32 s1, s0  }
0xc1: {  	s0 =	sadd.s32 $0x8F2B, s0  }
0xc2: {  	[sflag:s0] =	ssyncadd.remote.s32 $0x1  }
0xc3: {  	_ =	sfence.sel $0xFFFF  }
0xc4: {  	[dreg:$0x0] =	wrdreg $0xFFFFFFFF;
	(pc) =	sbr.abs _section_cstart, $3  }
0xc5: {  	[dreg:$0x1] =	wrdreg $0xFFFFFFFF  }
0xc6: {  	_ =	task.clear_ibuf [dreg:s10], $0x2FFFF;
	_ =	strace $0x9FFFFFFF  }
0xc7: {  	(tm) =	ssettm $0x7FFFFFFF  }
tec
execute0_lowered:
.L_overlay_start_1:
0x0: {  	(tag) =	ssettag $0x1  }
0x1: {  	s1 =	rddreg [dreg:$0x0]  }
0x2: {  	s2 =	rddreg [dreg:$0x1]  }
0x3: {  	s3 =	rddreg [dreg:$0x2]  }
0x4: {  	s5 =	rddreg [dreg:$0x3];
	s0 =	srdreg.scid  }
0x5: {  	s6 =	simm.s32 $0x0;
	s7 =	stileid.u32;
	s16 =	simm.s32 $0x4000  }
0x6: {  	s17 =	simm.s32 $0xC000;
	s18 =	simm.s32 $0x1;
	s19 =	simm.s32 $0x10000  }
0x7: {  	s20 =	simm.s32 $0x2;
	s21 =	simm.s32 $0x14000;
	s22 =	simm.s32 $0x5  }
0x8: {  	s23 =	simm.s32 $0x3;
	s24 =	simm.s32 $0x6;
	s25 =	simm.s32 $0x4  }
0x9: {  	s26 =	simm.s32 $0x8;
	s28 =	simm.s32 $0x0;
	s0 =	sand.u32 $0x1, s0  }
0xa: {  	s7 =	sshll.u32 s7, $0x14;
	[smem:$0x7FF] =	sst s6;
	s4 =	ssub.s32 $0x2, s0  }
.Ltmp0:
0xb: {  	s0 =	sshll.u32 s0, $0x13;
	s8 =	sshrl.u32 s4, $0x1;
	(pc) =	sbr.rel .LBB2_1-.Ltmp0, $4  }
0xc: {  	_ =	strace $0x80000047;
	s7 =	sor.u32 s0, s7;
	s30 =	ssub.s32 s4, s8  }
0xd: {  	s31 =	sshrl.u32 s7, $0x3;
	s12 =	sor.u32 $0x8000, s7;
	s13 =	sor.u32 $0xC000, s7  }
0xe: {  	s8 =	sadd.s32 s2, s31;
	s9 =	sadd.s32 s3, s31;
	s4 =	sor.u32 $0x800, s31  }
0xf: {  	s14 =	smax.u32 s30, $0x1;
	s10 =	sadd.s32 s2, s4;
	s11 =	sadd.s32 s3, s4  }
.LBB2_8:
0x10: {  	s28 =	sadd.s32 $0x1, s28  }
0x11: {  	p0 =	sne.s32 s28, s14  }
.Ltmp1:
0x12: {  	_ = 	snop;
	(pc) =	sbr.rel @!p0 .LBB2_9-.Ltmp1, $4  }
0x13: {  	_ = 	snop  }
0x14: {  	_ =	swait.ge [sflag:s26], $0x4000  }
0x15: {  	[sflag:s26] =	ssyncset.done $0x0  }
0x16: {  	[sflag:s26] =	ssyncadd.s32 $0xFFFFC000  }
.LBB2_1:
0x17: {  	[tilespmem:s6], [sflag:$0x1] =	stream.linear.gather [hbm4b:s8+s6], $0x4000, $0x38;
	[tilespmem:$0x18000] =	vst v63  }
0x18: {  	s0 =	simm.s32 $0x8000  }
0x19: {  	[tilespmem:s0], [sflag:$0x3] =	stream.linear.gather [hbm4b:s9+s6], $0x4000, $0x38;
	[tilespmem:$0x18000] =	vst v63  }
0x1a: {  	_ = 	snop  }
0x1b: {  	[tilespmem:s16], [sflag:$0x2] =	stream.linear.gather [hbm4b:s10+s6], $0x4000, $0x38;
	[tilespmem:$0x18000] =	vst v63  }
0x1c: {  	_ = 	snop  }
0x1d: {  	[tilespmem:s17], [sflag:$0x4] =	stream.linear.gather [hbm4b:s11+s6], $0x4000, $0x38;
	[tilespmem:$0x18000] =	vst v63  }
0x1e: {  	_ =	swait.ge [sflag:s18], $0x4000  }
0x1f: {  	[sflag:s18] =	ssyncset.done $0x0  }
0x20: {  	s29 =	simm.s32 $0x0;
	[sflag:s18] =	ssyncadd.s32 $0xFFFFC000  }
0x21: {  	[tilespmem:s19], [sflag:$0x5] =	stream.indirect.gather [hbm4b:s1+s16], $0x1, s6, s16, $0xb8;
	[tilespmem:$0x18000] =	vst v63  }
.LBB2_2:
0x22: {  	_ =	swait.ge [sflag:s20], $0x4000  }
0x23: {  	p0 =	seq.s32 s29, $0x0;
	[sflag:s20] =	ssyncset.done $0x0  }
0x24: {  	s0 =	simm.s32 @!p0 $0x8;
	[sflag:s20] =	ssyncadd.s32 $0xFFFFC000  }
0x25: {  	_ =	swait.ge @!p0 [sflag:s0], $0x4000  }
0x26: {  	[sflag:s0] =	ssyncset.done @!p0 $0x0  }
0x27: {  	[sflag:s0] =	ssyncadd.s32 @!p0 $0xFFFFC000  }
0x28: {  	[tilespmem:s21], [sflag:$0x6] =	stream.indirect.gather [hbm4b:s1+s16], $0x1, s16, s16, $0xb8;
	[tilespmem:$0x18000] =	vst v63  }
0x29: {  	_ =	swait.ge [sflag:s22], $0x4000  }
0x2a: {  	[sflag:s22] =	ssyncset.done $0x0  }
0x2b: {  	[sflag:s22] =	ssyncadd.s32 $0xFFFFC000  }
0x2c: {  	_ =	swait.ge [sflag:s23], $0x4000  }
0x2d: {  	[sflag:s23] =	ssyncset.done $0x0  }
0x2e: {  	s0 =	simm.s32 $0x0;
	[sflag:s23] =	ssyncadd.s32 $0xFFFFC000  }
0x2f: {  	v7 =	vld [tilespmem:s0+$0x8000]  }
0x30: {  	v11 =	vld [tilespmem:s0+$0x8010]  }
0x31: {  	v5 =	vld [tilespmem:s0+$0x8020]  }
0x32: {  	v4 =	vld [tilespmem:s0+$0x8030]  }
0x33: {  	v3 =	vld [tilespmem:s0+$0x8040]  }
0x34: {  	v2 =	vld [tilespmem:s0+$0x8050]  }
0x35: {  	v1 =	vld [tilespmem:s0+$0x8060]  }
0x36: {  	v0 =	vld [tilespmem:s0+$0x8070]  }
0x37: {  	v12 =	vld [tilespmem:s0+$0x10000]  }
0x38: {  	v13 =	vld [tilespmem:s0+$0x10010]  }
0x39: {  	v10 =	vld [tilespmem:s0+$0x10020]  }
0x3a: {  	v9 =	vld [tilespmem:s0+$0x10030]  }
0x3b: {  	v8 =	vld [tilespmem:s0+$0x10040]  }
0x3c: {  	v6 =	vld [tilespmem:s0+$0x10050];
	v12 =	vmul.f32 v7, v12  }
0x3d: {  	s30 =	sshll.u32 s29, $0xF;
	s31 =	simm.s32 $0x200;
	v11 =	vmul.f32 v11, v13;
	v7 =	vld [tilespmem:s0+$0x10060]  }
.LBB2_3:
0x3e: {  	s4 =	sshra.s32 s31, $0x2;
	p0 =	sne.s32 s31, $0xFE00;
	[tilespmem:s0+$0x10000] =	vst v12;
	v5 =	vmul.f32 v5, v10;
	v10 =	vld [tilespmem:s0+$0x10070]  }
0x3f: {  	v12 =	vld [tilespmem:s4+$0x8000];
	[tilespmem:s0+$0x10010] =	vst v11;
	v4 =	vmul.f32 v4, v9  }
0x40: {  	v11 =	vld [tilespmem:s4+$0x8010];
	[tilespmem:s0+$0x10020] =	vst v5;
	v3 =	vmul.f32 v3, v8  }
0x41: {  	v5 =	vld [tilespmem:s4+$0x8020];
	[tilespmem:s0+$0x10030] =	vst v4;
	v2 =	vmul.f32 v2, v6  }
0x42: {  	v4 =	vld [tilespmem:s4+$0x8030];
	[tilespmem:s0+$0x10040] =	vst v3;
	v1 =	vmul.f32 v1, v7  }
0x43: {  	v3 =	vld [tilespmem:s4+$0x8040];
	[tilespmem:s0+$0x10050] =	vst v2;
	v0 =	vmul.f32 v0, v10  }
0x44: {  	v2 =	vld [tilespmem:s4+$0x8050];
	[tilespmem:s0+$0x10060] =	vst v1  }
0x45: {  	v1 =	vld [tilespmem:s4+$0x8060];
	[tilespmem:s0+$0x10070] =	vst v0;
	s0 =	smov.u32 s4  }
0x46: {  	v0 =	vld [tilespmem:s0+$0x8070]  }
0x47: {  	v6 =	vld [tilespmem:s0+$0x10000]  }
0x48: {  	v7 =	vld [tilespmem:s0+$0x10010]  }
.Ltmp2:
0x49: {  	v10 =	vld [tilespmem:s0+$0x10020];
	(pc) =	sbr.rel @p0 .LBB2_3-.Ltmp2, $4  }
0x4a: {  	v9 =	vld [tilespmem:s0+$0x10030]  }
0x4b: {  	v8 =	vld [tilespmem:s0+$0x10040]  }
0x4c: {  	v12 =	vmul.f32 v12, v6;
	v6 =	vld [tilespmem:s0+$0x10050]  }
0x4d: {  	s31 =	sadd.s32 $0x200, s31;
	v11 =	vmul.f32 v11, v7;
	v7 =	vld [tilespmem:s0+$0x10060]  }
0x4e: {  	[tilespmem:s0+$0x10000] =	vst v12;
	v5 =	vmul.f32 v5, v10;
	v10 =	vld [tilespmem:s0+$0x10070]  }
0x4f: {  	[tilespmem:s0+$0x10010] =	vst v11;
	v4 =	vmul.f32 v4, v9  }
0x50: {  	[tilespmem:s0+$0x10020] =	vst v5;
	v3 =	vmul.f32 v3, v8  }
0x51: {  	[tilespmem:s0+$0x10030] =	vst v4;
	v2 =	vmul.f32 v2, v6  }
0x52: {  	[tilespmem:s0+$0x10040] =	vst v3;
	v1 =	vmul.f32 v1, v7  }
0x53: {  	s4 =	sor.u32 s7, s30;
	[tilespmem:s0+$0x10050] =	vst v2;
	v0 =	vmul.f32 v0, v10  }
0x54: {  	p0 =	seq.s32 s29, $0xF;
	s31 =	sshrl.u32 s4, $0x3;
	[tilespmem:s0+$0x10060] =	vst v1  }
0x55: {  	s15 =	sadd.s32 s5, s31;
	[tilespmem:s0+$0x10070] =	vst v0;
	s0 =	sadd.s32 @!p0 s30, s12  }
0x56: {  	[hbm4b:s15+s6] =	stream.linear.scatter [tilespmem:s19], [sflag:$0x7], $0x4000, $0x38;
	[tilespmem:$0x18000] =	vst v63  }
0x57: {  	s0 =	sshrl.u32 @!p0 s0, $0x3  }
0x58: {  	s15 =	simm.s32 @!p0 $0x0;
	s4 =	sadd.s32 @!p0 s2, s0  }
0x59: {  	[tilespmem:s15], [sflag:$0x1] =	stream.linear.gather @!p0 [hbm4b:s4+s15], $0x4000, $0x38;
	[tilespmem:$0x18000] =	vst v63  }
0x5a: {  	s0 =	sadd.s32 @!p0 s3, s0;
	s4 =	simm.s32 @!p0 $0x8000  }
0x5b: {  	[tilespmem:s4], [sflag:$0x3] =	stream.linear.gather @!p0 [hbm4b:s0+s15], $0x4000, $0x38;
	[tilespmem:$0x18000] =	vst v63  }
0x5c: {  	s0 =	simm.s32 @!p0 $0x1  }
0x5d: {  	_ =	swait.ge @!p0 [sflag:s0], $0x4000  }
0x5e: {  	[sflag:s0] =	ssyncset.done @!p0 $0x0  }
0x5f: {  	[sflag:s0] =	ssyncadd.s32 @!p0 $0xFFFFC000;
	s0 =	simm.s32 @!p0 $0x7  }
0x60: {  	_ =	swait.ge @!p0 [sflag:s0], $0x4000  }
0x61: {  	[sflag:s0] =	ssyncset.done @!p0 $0x0  }
0x62: {  	s4 =	simm.s32 @!p0 $0x10000;
	[sflag:s0] =	ssyncadd.s32 @!p0 $0xFFFFC000;
	s0 =	simm.s32 @!p0 $0x4000  }
0x63: {  	[tilespmem:s4], [sflag:$0x5] =	stream.indirect.gather @!p0 [hbm4b:s1+s0], $0x1, s15, s0, $0xb8;
	[tilespmem:$0x18000] =	vst v63  }
0x64: {  	_ =	swait.ge [sflag:s24], $0x4000  }
0x65: {  	[sflag:s24] =	ssyncset.done $0x0  }
0x66: {  	[sflag:s24] =	ssyncadd.s32 $0xFFFFC000  }
0x67: {  	_ =	swait.ge [sflag:s25], $0x4000  }
0x68: {  	[sflag:s25] =	ssyncset.done $0x0  }
0x69: {  	s0 =	simm.s32 $0x0;
	[sflag:s25] =	ssyncadd.s32 $0xFFFFC000  }
0x6a: {  	v7 =	vld [tilespmem:s0+$0xC000]  }
0x6b: {  	v11 =	vld [tilespmem:s0+$0xC010]  }
0x6c: {  	v5 =	vld [tilespmem:s0+$0xC020]  }
0x6d: {  	v4 =	vld [tilespmem:s0+$0xC030]  }
0x6e: {  	v3 =	vld [tilespmem:s0+$0xC040]  }
0x6f: {  	v2 =	vld [tilespmem:s0+$0xC050]  }
0x70: {  	v1 =	vld [tilespmem:s0+$0xC060]  }
0x71: {  	v0 =	vld [tilespmem:s0+$0xC070]  }
0x72: {  	v12 =	vld [tilespmem:s0+$0x14000]  }
0x73: {  	v13 =	vld [tilespmem:s0+$0x14010]  }
0x74: {  	v10 =	vld [tilespmem:s0+$0x14020]  }
0x75: {  	v9 =	vld [tilespmem:s0+$0x14030]  }
0x76: {  	v8 =	vld [tilespmem:s0+$0x14040]  }
0x77: {  	v6 =	vld [tilespmem:s0+$0x14050];
	v12 =	vmul.f32 v7, v12  }
0x78: {  	s4 =	simm.s32 $0x200;
	v11 =	vmul.f32 v11, v13;
	v7 =	vld [tilespmem:s0+$0x14060]  }
.LBB2_5:
0x79: {  	s15 =	sshra.s32 s4, $0x2;
	p1 =	sne.s32 s4, $0xFE00;
	[tilespmem:s0+$0x14000] =	vst v12;
	v5 =	vmul.f32 v5, v10;
	v10 =	vld [tilespmem:s0+$0x14070]  }
0x7a: {  	v12 =	vld [tilespmem:s15+$0xC000];
	[tilespmem:s0+$0x14010] =	vst v11;
	v4 =	vmul.f32 v4, v9  }
0x7b: {  	v11 =	vld [tilespmem:s15+$0xC010];
	[tilespmem:s0+$0x14020] =	vst v5;
	v3 =	vmul.f32 v3, v8  }
0x7c: {  	v5 =	vld [tilespmem:s15+$0xC020];
	[tilespmem:s0+$0x14030] =	vst v4;
	v2 =	vmul.f32 v2, v6  }
0x7d: {  	v4 =	vld [tilespmem:s15+$0xC030];
	[tilespmem:s0+$0x14040] =	vst v3;
	v1 =	vmul.f32 v1, v7  }
0x7e: {  	v3 =	vld [tilespmem:s15+$0xC040];
	[tilespmem:s0+$0x14050] =	vst v2;
	v0 =	vmul.f32 v0, v10  }
0x7f: {  	v2 =	vld [tilespmem:s15+$0xC050];
	[tilespmem:s0+$0x14060] =	vst v1  }
0x80: {  	v1 =	vld [tilespmem:s15+$0xC060];
	[tilespmem:s0+$0x14070] =	vst v0;
	s0 =	smov.u32 s15  }
0x81: {  	v0 =	vld [tilespmem:s0+$0xC070]  }
0x82: {  	v6 =	vld [tilespmem:s0+$0x14000]  }
0x83: {  	v7 =	vld [tilespmem:s0+$0x14010]  }
.Ltmp3:
0x84: {  	v10 =	vld [tilespmem:s0+$0x14020];
	(pc) =	sbr.rel @p1 .LBB2_5-.Ltmp3, $4  }
0x85: {  	v9 =	vld [tilespmem:s0+$0x14030]  }
0x86: {  	v8 =	vld [tilespmem:s0+$0x14040]  }
0x87: {  	v12 =	vmul.f32 v12, v6;
	v6 =	vld [tilespmem:s0+$0x14050]  }
0x88: {  	s4 =	sadd.s32 $0x200, s4;
	v11 =	vmul.f32 v11, v7;
	v7 =	vld [tilespmem:s0+$0x14060]  }
0x89: {  	[tilespmem:s0+$0x14000] =	vst v12;
	v5 =	vmul.f32 v5, v10;
	v63 =	vld [tilespmem:s0+$0x14070]  }
0x8a: {  	[tilespmem:s0+$0x14010] =	vst v11;
	v4 =	vmul.f32 v4, v9  }
0x8b: {  	[tilespmem:s0+$0x14020] =	vst v5;
	v3 =	vmul.f32 v3, v8  }
0x8c: {  	[tilespmem:s0+$0x14030] =	vst v4;
	v2 =	vmul.f32 v2, v6  }
.Ltmp4:
0x8d: {  	[tilespmem:s0+$0x14040] =	vst v3;
	v1 =	vmul.f32 v1, v7;
	(pc) =	sbr.rel @p0 .LBB2_8-.Ltmp4, $4  }
0x8e: {  	[tilespmem:s0+$0x14050] =	vst v2;
	v0 =	vmul.f32 v0, v63  }
0x8f: {  	s4 =	sadd.s32 s31, s5;
	[tilespmem:s0+$0x14060] =	vst v1  }
0x90: {  	s31 =	sadd.s32 $0x800, s4;
	[tilespmem:s0+$0x14070] =	vst v0  }
0x91: {  	[hbm4b:s31+s6] =	stream.linear.scatter [tilespmem:s21], [sflag:$0x8], $0x4000, $0x38;
	[tilespmem:$0x18000] =	vst v63  }
0x92: {  	s0 =	sadd.s32 s30, s13  }
.Ltmp5:
0x93: {  	s0 =	sshrl.u32 s0, $0x3;
	(pc) =	sbr.rel .LBB2_2-.Ltmp5, $4  }
0x94: {  	s4 =	sadd.s32 s2, s0  }
0x95: {  	[tilespmem:s16], [sflag:$0x2] =	stream.linear.gather [hbm4b:s4+s6], $0x4000, $0x38;
	[tilespmem:$0x18000] =	vst v63  }
0x96: {  	s29 =	sadd.s32 $0x1, s29;
	s0 =	sadd.s32 s3, s0  }
0x97: {  	[tilespmem:s17], [sflag:$0x4] =	stream.linear.gather [hbm4b:s0+s6], $0x4000, $0x38;
	[tilespmem:$0x18000] =	vst v63  }
.LBB2_9:
0x98: {  	_ =	sfence.sel $0x180000  }
0x99: {  	[bflag:$0x0] =	sbarrier.arrive $0xFFFF  }
0x9a: {  	_ =	strace $0x90000047  }
0x9b: {  	s0 =	stileid.u32;
	[bflag:$0x2] =	sbarrier.arrive $0xFFFF  }
0x9c: {  	p0 =	sne.s32 s0, $0x0;
	s0 =	rddreg [dreg:$0x4]  }
0x9d: {  	s0 =	sadd.s32 @!p0 $0x100000, s0  }
0x9e: {  	[sflag:s0] =	ssyncadd.tile.s32 @!p0 $0x1;
	_ =	shalt  }
.Lfunc_end2:
_tile_overlayer_lowered:
.L_overlay_start_2:
0x9f: {  	(tag) =	ssettag $0x2  }
0xa0: {  	s0 =	rddreg [dreg:$0x0];
	s2 =	stileid.u32  }
0xa1: {  	s1 =	rddreg [dreg:$0x1];
	p0 =	sne.s32 s2, $0x0  }
0xa2: {  	s3 =	rddreg [dreg:$0x2];
	[bflag:$0x3] =	sbarrier.arrive $0xFFFF;
	s2 =	simm.s32 @!p0 $0x1C09  }
0xa3: {  	[timem:s3], [sflag:s2] =	dma.local @!p0 [hbm:s0], s1  }
0xa4: {  	s0 =	simm.s32 @!p0 $0x9  }
0xa5: {  	_ =	swait.ge @!p0 [sflag:s0], s1  }
0xa6: {  	s1 =	ssub.s32 @!p0 $0x0, s1;
	[sflag:s0] =	ssyncset.done @!p0 $0x0  }
0xa7: {  	[sflag:s0] =	ssyncadd.s32 @!p0 s1  }
0xa8: {  	[bflag:$0x3] =	sbarrier.arrive $0xFFFF  }
0xa9: {  	_ =	shalt  }

</sc_bundles>
